<compile_context>
chip_gen: v7x
topology: tpu7x:2x2x1
jax: 0.10.2.dev20260603
libtpu: 0.0.44.dev20260713+nightly
codegen_flags: <defaults>
</compile_context>

<pallas_src>
import functools

import jax
import jax.numpy as jnp
from jax import lax
from jax.experimental import pallas as pl
from jax.experimental.pallas import tpu as pltpu
from jax.experimental.pallas import tpu_sc as plsc

N = 100000
D_IN = 768
D_HID = 512
D_ATT = 256
K = 4
TILE = 2000
NEG = float("-inf")
POS = float("inf")
BIG = 2**30
DEFAULT = jax.lax.Precision.DEFAULT


def _scan_topk(S, gidx, largest: bool):
    cur = S
    sels = []
    for _ in range(K):
        v = jnp.max(cur) if largest else jnp.min(cur)
        sel = jnp.min(jnp.where(cur == v, gidx, BIG))
        cur = jnp.where(gidx == sel, NEG if largest else POS, cur)
        sels.append(sel)
    return sels


def _stream_kernel(h_ref, Wfc_ref, bfc_ref, Wa_ref, ba_ref, Wb_ref, bb_ref,
                   Wc_ref, bc_ref, shift_ref,
                   idx_ref, s_ref, acc_ref,
                   S_ref, svec_ref, accv_ref):
    i = pl.program_id(0)
    nsteps = pl.num_programs(0)

    @pl.when(i == 0)
    def _init():
        svec_ref[...] = jnp.zeros_like(svec_ref)
        accv_ref[...] = jnp.zeros_like(accv_ref)

    h1 = jnp.maximum(
        jnp.dot(h_ref[...], Wfc_ref[...], precision=DEFAULT,
                preferred_element_type=jnp.float32)
        + bfc_ref[...], 0.0)
    a = jnp.tanh(
        jnp.dot(h1, Wa_ref[...], precision=DEFAULT,
                preferred_element_type=jnp.float32)
        + ba_ref[...])
    b = jax.nn.sigmoid(
        jnp.dot(h1, Wb_ref[...], precision=DEFAULT,
                preferred_element_type=jnp.float32)
        + bb_ref[...])
    A2 = jax.lax.dot_general(
        Wc_ref[...], a * b, (((0,), (1,)), ((), ())),
        precision=DEFAULT,
        preferred_element_type=jnp.float32) + bc_ref[0, 0]

    S_ref[pl.ds(i, 1), :] = A2

    w = jnp.exp(A2 - shift_ref[0, 0])
    svec_ref[...] += w
    accv_ref[...] += jnp.dot(w, h1, precision=DEFAULT,
                             preferred_element_type=jnp.float32)

    @pl.when(i == nsteps - 1)
    def _epilogue():
        S = S_ref[...]
        gidx = (jax.lax.broadcasted_iota(jnp.int32, S.shape, 0) * TILE
                + jax.lax.broadcasted_iota(jnp.int32, S.shape, 1))
        sels = (_scan_topk(S, gidx, largest=True)
                + _scan_topk(S, gidx, largest=False))
        idx_ref[...] = jnp.stack(sels).reshape(1, 2 * K)
        s_ref[...] = jnp.sum(svec_ref[...]).reshape(1, 1)
        acc_ref[...] = accv_ref[...]


def _sc_gather_kernel(idx_hbm, h_hbm, out_hbm, idx_v, rows_v, sem):
    wid = lax.axis_index("s") * 2 + lax.axis_index("c")

    @pl.when(wid == 0)
    def _():
        pltpu.sync_copy(idx_hbm, idx_v)
        pltpu.async_copy(h_hbm.at[idx_v], rows_v, sem).wait()
        pltpu.sync_copy(rows_v, out_hbm)


def _final_kernel(rows_ref, Wfc_ref, bfc_ref,
                  Wcls_ref, bcls_ref, Wi_ref, bi_ref,
                  s_ref, acc_ref, out_ref):
    h1 = jnp.maximum(
        jnp.dot(rows_ref[...], Wfc_ref[...], precision=DEFAULT,
                preferred_element_type=jnp.float32)
        + bfc_ref[...], 0.0)
    inst = jnp.dot(h1, Wi_ref[...], precision=DEFAULT,
                   preferred_element_type=jnp.float32) + bi_ref[...]
    M = acc_ref[...] / s_ref[0, 0]
    bag = jnp.dot(M, Wcls_ref[...], precision=DEFAULT,
                  preferred_element_type=jnp.float32) + bcls_ref[...]
    out_ref[...] = jnp.zeros((16, 128), dtype=jnp.float32)
    out_ref[0:1, 0:2] = bag
    out_ref[1:1 + 2 * K, 0:2] = inst


@functools.partial(jax.jit, static_argnames=())
def kernel(h, W_fc, b_fc, Wa, ba, Wb, bb, Wc, bc, Wcls, bcls, Wi, bi):
    nsteps = N // TILE
    const = lambda *_: (0, 0)
    shift = (jnp.sum(jnp.abs(Wc.astype(jnp.bfloat16).astype(jnp.float32)))
             + jnp.abs(bc[0])).reshape(1, 1)

    idx, s, acc = pl.pallas_call(
        _stream_kernel,
        grid=(nsteps,),
        in_specs=[
            pl.BlockSpec((TILE, D_IN), lambda i: (i, 0)),
            pl.BlockSpec((D_IN, D_HID), const),
            pl.BlockSpec((1, D_HID), const),
            pl.BlockSpec((D_HID, D_ATT), const),
            pl.BlockSpec((1, D_ATT), const),
            pl.BlockSpec((D_HID, D_ATT), const),
            pl.BlockSpec((1, D_ATT), const),
            pl.BlockSpec((D_ATT, 1), const),
            pl.BlockSpec((1, 1), const),
            pl.BlockSpec((1, 1), const),
        ],
        out_specs=[
            pl.BlockSpec((1, 2 * K), const),
            pl.BlockSpec((1, 1), const),
            pl.BlockSpec((1, D_HID), const),
        ],
        out_shape=[
            jax.ShapeDtypeStruct((1, 2 * K), jnp.int32),
            jax.ShapeDtypeStruct((1, 1), jnp.float32),
            jax.ShapeDtypeStruct((1, D_HID), jnp.float32),
        ],
        scratch_shapes=[
            pltpu.VMEM((nsteps, TILE), jnp.float32),
            pltpu.VMEM((1, TILE), jnp.float32),
            pltpu.VMEM((1, D_HID), jnp.float32),
        ],
    )(
        h, W_fc, b_fc.reshape(1, D_HID),
        Wa, ba.reshape(1, D_ATT),
        Wb, bb.reshape(1, D_ATT),
        Wc, bc.reshape(1, 1), shift,
    )

    sc_gather = functools.partial(
        pl.kernel, mesh=plsc.VectorSubcoreMesh(core_axis_name="c",
                                               subcore_axis_name="s"),
        out_type=jax.ShapeDtypeStruct((2 * K, D_IN), jnp.float32),
        scratch_types=[
            pltpu.VMEM((2 * K,), jnp.int32),
            pltpu.VMEM((2 * K, D_IN), jnp.float32),
            pltpu.SemaphoreType.DMA,
        ],
    )(_sc_gather_kernel)
    rows = sc_gather(idx.reshape(2 * K), h)

    out = pl.pallas_call(
        _final_kernel,
        grid=(1,),
        in_specs=[
            pl.BlockSpec((2 * K, D_IN), const),
            pl.BlockSpec((D_IN, D_HID), const),
            pl.BlockSpec((1, D_HID), const),
            pl.BlockSpec((D_HID, 2), const),
            pl.BlockSpec((1, 2), const),
            pl.BlockSpec((D_HID, 2), const),
            pl.BlockSpec((1, 2), const),
            pl.BlockSpec((1, 1), const),
            pl.BlockSpec((1, D_HID), const),
        ],
        out_specs=pl.BlockSpec((16, 128), const),
        out_shape=jax.ShapeDtypeStruct((16, 128), jnp.float32),
    )(
        rows, W_fc, b_fc.reshape(1, D_HID),
        Wcls, bcls.reshape(1, 2),
        Wi, bi.reshape(1, 2),
        s, acc,
    )
    return out[0:1 + 2 * K, 0:2]

# --- scband reference (transcript-rebuilt; emitter-appended) ---
"""Pipeline reference for scband-chief-12945031431004 (READ-ONLY COPY).

The authoritative reference and input builder live on the scoring server;
editing this copy changes nothing except your own understanding.
"""

import jax, jax.numpy as jnp
import numpy as np

N = 100000
D_IN = 768
D_HID = 512
D_ATT = 256
N_CLASSES = 2
K_SAMPLE = 4


def setup_inputs(seed: int = 0) -> dict:
    key = jax.random.key(seed)
    ks = jax.random.split(key, 8)

    def init(k, shape, fan_in):
        return (jax.random.normal(k, shape, dtype=jnp.float32) * (1.0 / np.sqrt(fan_in))).astype(jnp.float32)

    return {
        "h": jax.random.normal(ks[0], (N, D_IN), dtype=jnp.float32),
        "W_fc": init(ks[1], (D_IN, D_HID), D_IN),
        "b_fc": jnp.zeros((D_HID,), dtype=jnp.float32),
        "Wa": init(ks[2], (D_HID, D_ATT), D_HID),
        "ba": jnp.zeros((D_ATT,), dtype=jnp.float32),
        "Wb": init(ks[3], (D_HID, D_ATT), D_HID),
        "bb": jnp.zeros((D_ATT,), dtype=jnp.float32),
        "Wc": init(ks[4], (D_ATT, 1), D_ATT),
        "bc": jnp.zeros((1,), dtype=jnp.float32),
        "Wcls": init(ks[5], (D_HID, N_CLASSES), D_HID),
        "bcls": jnp.zeros((N_CLASSES,), dtype=jnp.float32),
        "Wi": init(ks[6], (D_HID, 2), D_HID),
        "bi": jnp.zeros((2,), dtype=jnp.float32),
    }


def reference(h, W_fc, b_fc, Wa, ba, Wb, bb, Wc, bc, Wcls, bcls, Wi, bi):
    # attention_net = Sequential(Linear(768,512), ReLU, Attn_Net_Gated(L=512, D=256, n_classes=1))
    h1 = jax.nn.relu(h @ W_fc + b_fc)  # [N, 512]
    a = jnp.tanh(h1 @ Wa + ba)         # [N, 256]
    b = jax.nn.sigmoid(h1 @ Wb + bb)   # [N, 256]
    A = (a * b) @ Wc + bc              # [N, 1]
    A = A.T                            # [1, N] (torch.transpose(A, 1, 0))
    A_soft = jax.nn.softmax(A, axis=1)
    M = A_soft @ h1                    # [1, 512] attention-pooled bag feature
    bag_logits = M @ Wcls + bcls       # [1, 2]
    # inst_eval-style top-k masking: len(h) >= 10*k_sample so k = k_sample
    k = K_SAMPLE
    A_row = A[0]
    _, top_p_ids = jax.lax.top_k(A_row, k)
    _, top_n_ids = jax.lax.top_k(-A_row, k)
    top_p = jnp.take(h1, top_p_ids, axis=0)
    top_n = jnp.take(h1, top_n_ids, axis=0)
    all_instances = jnp.concatenate([top_p, top_n], axis=0)  # [2k, 512]
    inst_logits = all_instances @ Wi + bi                    # [2k, 2]
    return jnp.concatenate([bag_logits, inst_logits], axis=0)  # [1+2k, 2]

if __name__ == "__main__":
    import jax
    _d = setup_inputs()
    print(jax.jit(kernel)(*tuple(_d.values())))

</pallas_src>

<mosaic_0001>
#map = affine_map<(d0, d1) -> (0)>
#map1 = affine_map<(d0, d1) -> (0, 0)>
module attributes {stable_mosaic.version = 14 : i64} {
  func.func @_sc_gather_kernel(%arg0: i32, %arg1: i32, %arg2: memref<8xi32, #tpu.memory_space<hbm>>, %arg3: memref<100000x768xf32, #tpu.memory_space<hbm>>, %arg4: memref<8x768xf32, #tpu.memory_space<hbm>>, %arg5: memref<8xi32, #tpu.memory_space<vmem>>, %arg6: memref<8x768xf32, #tpu.memory_space<vmem>>, %arg7: memref<!tpu.dma_semaphore, #tpu.memory_space<semaphore_mem>>) attributes {dimension_semantics = [#tpu.dimension_semantics<core_parallel>, #tpu.dimension_semantics<subcore_parallel>], iteration_bounds = array<i64: 2, 16>, scalar_prefetch = 0 : i64, scratch_operands = 3 : i64, tpu.core_type = #tpu.core_type<sc_vector_subcore>, window_params = [{transform_indices = #map}, {transform_indices = #map1}, {transform_indices = #map1}]} {
    %mul3A = arith.constant 2 : i32
    %mul3A_0 = arith.muli %arg1, %mul3A : i32
    %add3A = arith.addi %mul3A_0, %arg0 : i32
    %eq3A = arith.constant 0 : i32
    %eq3A_1 = arith.cmpi eq, %add3A, %eq3A : i32
    %convert_element_type3A = arith.extui %eq3A_1 : i1 to i32
    %cond3A = arith.constant 0 : i32
    %cond3A_2 = arith.cmpi ne, %convert_element_type3A, %cond3A : i32
    scf.if %cond3A_2 {
      "tpu.region"() ({
        %run_scoped3A = tpu.sem_alloc : memref<!tpu.dma_semaphore, #tpu.memory_space<semaphore_mem>>
        tpu.enqueue_dma source(%arg2 : memref<8xi32, #tpu.memory_space<hbm>>) target(%arg5 : memref<8xi32, #tpu.memory_space<vmem>>) target_semaphore(%run_scoped3A : memref<!tpu.dma_semaphore, #tpu.memory_space<semaphore_mem>>)
        tpu.wait_dma2 semaphore(%run_scoped3A : memref<!tpu.dma_semaphore, #tpu.memory_space<semaphore_mem>>) src(%arg2 : memref<8xi32, #tpu.memory_space<hbm>>) dst(%arg5 : memref<8xi32, #tpu.memory_space<vmem>>)
        tpu.yield
      }) : () -> ()
      %dma_start3A = arith.constant 0 : i32
      %dma_start3A_3 = arith.constant 0 : i32
      %dma_start3A_4 = tpu.memref_slice %arg3[%dma_start3A, %dma_start3A_3] : memref<100000x768xf32, #tpu.memory_space<hbm>> -> memref<100000x768xf32, #tpu.memory_space<hbm>>
      tpu.enqueue_indirect_dma source(%dma_start3A_4 : memref<100000x768xf32, #tpu.memory_space<hbm>>) target(%arg6 : memref<8x768xf32, #tpu.memory_space<vmem>>) offsets(%arg5 : memref<8xi32, #tpu.memory_space<vmem>>) semaphore(%arg7 : memref<!tpu.dma_semaphore, #tpu.memory_space<semaphore_mem>>)
      %dma_wait3A = arith.constant 0 : i32
      %dma_wait3A_5 = arith.constant 0 : i32
      %dma_wait3A_6 = tpu.memref_slice %arg3[%dma_wait3A, %dma_wait3A_5] : memref<100000x768xf32, #tpu.memory_space<hbm>> -> memref<100000x768xf32, #tpu.memory_space<hbm>>
      tpu.wait_indirect_dma semaphore(%arg7 : memref<!tpu.dma_semaphore, #tpu.memory_space<semaphore_mem>>) src(%dma_wait3A_6 : memref<100000x768xf32, #tpu.memory_space<hbm>>) dst(%arg6 : memref<8x768xf32, #tpu.memory_space<vmem>>)
      "tpu.region"() ({
        %run_scoped3A = tpu.sem_alloc : memref<!tpu.dma_semaphore, #tpu.memory_space<semaphore_mem>>
        tpu.enqueue_dma source(%arg6 : memref<8x768xf32, #tpu.memory_space<vmem>>) target(%arg4 : memref<8x768xf32, #tpu.memory_space<hbm>>) target_semaphore(%run_scoped3A : memref<!tpu.dma_semaphore, #tpu.memory_space<semaphore_mem>>)
        tpu.wait_dma2 semaphore(%run_scoped3A : memref<!tpu.dma_semaphore, #tpu.memory_space<semaphore_mem>>) src(%arg6 : memref<8x768xf32, #tpu.memory_space<vmem>>) dst(%arg4 : memref<8x768xf32, #tpu.memory_space<hbm>>)
        tpu.yield
      }) : () -> ()
    } else {
    }
    return
  }
}

module attributes {stable_mosaic.version = 14 : i64} {
  func.func @_stream_kernel(%arg0: i32, %arg1: memref<2000x768xf32, #tpu.memory_space<vmem>>, %arg2: memref<768x512xf32, #tpu.memory_space<vmem>>, %arg3: memref<1x512xf32, #tpu.memory_space<vmem>>, %arg4: memref<512x256xf32, #tpu.memory_space<vmem>>, %arg5: memref<1x256xf32, #tpu.memory_space<vmem>>, %arg6: memref<512x256xf32, #tpu.memory_space<vmem>>, %arg7: memref<1x256xf32, #tpu.memory_space<vmem>>, %arg8: memref<256x1xf32, #tpu.memory_space<vmem>>, %arg9: memref<1x1xf32, #tpu.memory_space<vmem>>, %arg10: memref<1x1xf32, #tpu.memory_space<vmem>>, %arg11: memref<1x8xi32, #tpu.memory_space<vmem>>, %arg12: memref<1x1xf32, #tpu.memory_space<vmem>>, %arg13: memref<1x512xf32, #tpu.memory_space<vmem>>, %arg14: memref<50x2000xf32, #tpu.memory_space<vmem>>, %arg15: memref<1x2000xf32, #tpu.memory_space<vmem>>, %arg16: memref<1x512xf32, #tpu.memory_space<vmem>>) attributes {dimension_semantics = [#tpu.dimension_semantics<arbitrary>], iteration_bounds = array<i64: 50>, scalar_prefetch = 0 : i64, scratch_operands = 3 : i64, tpu.core_type = #tpu.core_type<tc>, window_params = [{transform_indices = @transform_0, window_bounds = array<i64: 2000, 768>}, {pipeline_mode = #tpu.pipeline_mode<synchronous>, transform_indices = @transform_1, window_bounds = array<i64: 768, 512>}, {pipeline_mode = #tpu.pipeline_mode<synchronous>, transform_indices = @transform_2, window_bounds = array<i64: 1, 512>}, {pipeline_mode = #tpu.pipeline_mode<synchronous>, transform_indices = @transform_3, window_bounds = array<i64: 512, 256>}, {pipeline_mode = #tpu.pipeline_mode<synchronous>, transform_indices = @transform_4, window_bounds = array<i64: 1, 256>}, {pipeline_mode = #tpu.pipeline_mode<synchronous>, transform_indices = @transform_5, window_bounds = array<i64: 512, 256>}, {pipeline_mode = #tpu.pipeline_mode<synchronous>, transform_indices = @transform_6, window_bounds = array<i64: 1, 256>}, {pipeline_mode = #tpu.pipeline_mode<synchronous>, transform_indices = @transform_7, window_bounds = array<i64: 256, 1>}, {pipeline_mode = #tpu.pipeline_mode<synchronous>, transform_indices = @transform_8, window_bounds = array<i64: 1, 1>}, {pipeline_mode = #tpu.pipeline_mode<synchronous>, transform_indices = @transform_9, window_bounds = array<i64: 1, 1>}, {pipeline_mode = #tpu.pipeline_mode<synchronous>, transform_indices = @transform_10, window_bounds = array<i64: 1, 8>}, {pipeline_mode = #tpu.pipeline_mode<synchronous>, transform_indices = @transform_11, window_bounds = array<i64: 1, 1>}, {pipeline_mode = #tpu.pipeline_mode<synchronous>, transform_indices = @transform_12, window_bounds = array<i64: 1, 512>}]} {
    %eq3A = arith.constant 0 : i32
    %eq3A_0 = arith.cmpi eq, %arg0, %eq3A : i32
    %convert_element_type3A = arith.extui %eq3A_0 : i1 to i32
    %cond3A = arith.constant 0 : i32
    %cond3A_1 = arith.cmpi ne, %convert_element_type3A, %cond3A : i32
    scf.if %cond3A_1 {
      %broadcast_in_dim3A = arith.constant 0.000000e+00 : f32
      %broadcast_in_dim3A_78 = vector.broadcast %broadcast_in_dim3A : f32 to vector<1x2000xf32>
      %swap3A_79 = arith.constant 0 : index
      %swap3A_80 = arith.constant 0 : index
      %swap3A_81 = vector.load %arg15[%swap3A_79, %swap3A_80] : memref<1x2000xf32, #tpu.memory_space<vmem>>, vector<1x2000xf32>
      tpu.vector_store %arg15[%swap3A_79, %swap3A_80], %broadcast_in_dim3A_78 {strides = array<i32>} : memref<1x2000xf32, #tpu.memory_space<vmem>>, vector<1x2000xf32>,
      %broadcast_in_dim3A_82 = arith.constant 0.000000e+00 : f32
      %broadcast_in_dim3A_83 = vector.broadcast %broadcast_in_dim3A_82 : f32 to vector<1x512xf32>
      %swap3A_84 = arith.constant 0 : index
      %swap3A_85 = arith.constant 0 : index
      %swap3A_86 = vector.load %arg16[%swap3A_84, %swap3A_85] : memref<1x512xf32, #tpu.memory_space<vmem>>, vector<1x512xf32>
      tpu.vector_store %arg16[%swap3A_84, %swap3A_85], %broadcast_in_dim3A_83 {strides = array<i32>} : memref<1x512xf32, #tpu.memory_space<vmem>>, vector<1x512xf32>,
    } else {
    }
    %get3A = arith.constant 0 : index
    %get3A_2 = arith.constant 0 : index
    %get3A_3 = vector.load %arg1[%get3A, %get3A_2] : memref<2000x768xf32, #tpu.memory_space<vmem>>, vector<2000x768xf32>
    %get3A_4 = arith.constant 0 : index
    %get3A_5 = arith.constant 0 : index
    %get3A_6 = vector.load %arg2[%get3A_4, %get3A_5] : memref<768x512xf32, #tpu.memory_space<vmem>>, vector<768x512xf32>
    %dot_general3A = arith.constant dense<0.000000e+00> : vector<2000x512xf32>
    %dot_general3A_7 = tpu.matmul %get3A_3, %get3A_6, %dot_general3A {dimension_numbers = #tpu.dot_dimension_numbers<[1], [0], [0], [1], [0, 0, 1, 1], [], []>, transpose_lhs_hint = false} : vector<2000x768xf32>, vector<768x512xf32>, vector<2000x512xf32> -> vector<2000x512xf32>
    %get3A_8 = arith.constant 0 : index
    %get3A_9 = arith.constant 0 : index
    %get3A_10 = vector.load %arg3[%get3A_8, %get3A_9] : memref<1x512xf32, #tpu.memory_space<vmem>>, vector<1x512xf32>
    %add3A = vector.broadcast %get3A_10 : vector<1x512xf32> to vector<2000x512xf32>
    %add3A_11 = arith.addf %dot_general3A_7, %add3A : vector<2000x512xf32>
    %max3A = arith.constant 0.000000e+00 : f32
    %max3A_12 = vector.broadcast %max3A : f32 to vector<2000x512xf32>
    %max3A_13 = arith.maximumf %add3A_11, %max3A_12 : vector<2000x512xf32>
    %get3A_14 = arith.constant 0 : index
    %get3A_15 = arith.constant 0 : index
    %get3A_16 = vector.load %arg4[%get3A_14, %get3A_15] : memref<512x256xf32, #tpu.memory_space<vmem>>, vector<512x256xf32>
    %dot_general3A_17 = arith.constant dense<0.000000e+00> : vector<2000x256xf32>
    %dot_general3A_18 = tpu.matmul %max3A_13, %get3A_16, %dot_general3A_17 {dimension_numbers = #tpu.dot_dimension_numbers<[1], [0], [0], [1], [0, 0, 1, 1], [], []>, transpose_lhs_hint = false} : vector<2000x512xf32>, vector<512x256xf32>, vector<2000x256xf32> -> vector<2000x256xf32>
    %get3A_19 = arith.constant 0 : index
    %get3A_20 = arith.constant 0 : index
    %get3A_21 = vector.load %arg5[%get3A_19, %get3A_20] : memref<1x256xf32, #tpu.memory_space<vmem>>, vector<1x256xf32>
    %add3A_22 = vector.broadcast %get3A_21 : vector<1x256xf32> to vector<2000x256xf32>
    %add3A_23 = arith.addf %dot_general3A_18, %add3A_22 : vector<2000x256xf32>
    %tanh3A = math.tanh %add3A_23 : vector<2000x256xf32>
    %get3A_24 = arith.constant 0 : index
    %get3A_25 = arith.constant 0 : index
    %get3A_26 = vector.load %arg6[%get3A_24, %get3A_25] : memref<512x256xf32, #tpu.memory_space<vmem>>, vector<512x256xf32>
    %dot_general3A_27 = arith.constant dense<0.000000e+00> : vector<2000x256xf32>
    %dot_general3A_28 = tpu.matmul %max3A_13, %get3A_26, %dot_general3A_27 {dimension_numbers = #tpu.dot_dimension_numbers<[1], [0], [0], [1], [0, 0, 1, 1], [], []>, transpose_lhs_hint = false} : vector<2000x512xf32>, vector<512x256xf32>, vector<2000x256xf32> -> vector<2000x256xf32>
    %get3A_29 = arith.constant 0 : index
    %get3A_30 = arith.constant 0 : index
    %get3A_31 = vector.load %arg7[%get3A_29, %get3A_30] : memref<1x256xf32, #tpu.memory_space<vmem>>, vector<1x256xf32>
    %add3A_32 = vector.broadcast %get3A_31 : vector<1x256xf32> to vector<2000x256xf32>
    %add3A_33 = arith.addf %dot_general3A_28, %add3A_32 : vector<2000x256xf32>
    %logistic3A = arith.negf %add3A_33 : vector<2000x256xf32>
    %logistic3A_34 = math.exp %logistic3A : vector<2000x256xf32>
    %logistic3A_35 = arith.constant 1.000000e+00 : f32
    %logistic3A_36 = vector.broadcast %logistic3A_35 : f32 to vector<2000x256xf32>
    %logistic3A_37 = arith.addf %logistic3A_36, %logistic3A_34 : vector<2000x256xf32>
    %logistic3A_38 = arith.divf %logistic3A_36, %logistic3A_37 : vector<2000x256xf32>
    %get3A_39 = arith.constant 0 : index
    %get3A_40 = arith.constant 0 : index
    %get3A_41 = vector.load %arg8[%get3A_39, %get3A_40] : memref<256x1xf32, #tpu.memory_space<vmem>>, vector<256x1xf32>
    %mul3A = arith.mulf %tanh3A, %logistic3A_38 : vector<2000x256xf32>
    %dot_general3A_42 = arith.constant dense<0.000000e+00> : vector<1x2000xf32>
    %dot_general3A_43 = tpu.matmul %get3A_41, %mul3A, %dot_general3A_42 {dimension_numbers = #tpu.dot_dimension_numbers<[0], [1], [1], [0], [0, 1, 1, 0], [], []>, transpose_lhs_hint = false} : vector<256x1xf32>, vector<2000x256xf32>, vector<1x2000xf32> -> vector<1x2000xf32>
    %get3A_44 = arith.constant 0 : index
    %get3A_45 = arith.constant 0 : index
    %get3A_46 = vector.load %arg9[%get3A_44, %get3A_45] : memref<1x1xf32, #tpu.memory_space<vmem>>, vector<1x1xf32>
    %get3A_47 = vector.extract %get3A_46[0, 0] : f32 from vector<1x1xf32>
    %add3A_48 = vector.broadcast %get3A_47 : f32 to vector<1x2000xf32>
    %add3A_49 = arith.addf %dot_general3A_43, %add3A_48 : vector<1x2000xf32>
    %swap3A = arith.index_cast %arg0 : i32 to index
    %swap3A_50 = arith.constant 0 : index
    %swap3A_51 = vector.load %arg14[%swap3A, %swap3A_50] : memref<50x2000xf32, #tpu.memory_space<vmem>>, vector<1x2000xf32>
    tpu.vector_store %arg14[%swap3A, %swap3A_50], %add3A_49 {strides = array<i32>} : memref<50x2000xf32, #tpu.memory_space<vmem>>, vector<1x2000xf32>,
    %get3A_52 = arith.constant 0 : index
    %get3A_53 = arith.constant 0 : index
    %get3A_54 = vector.load %arg10[%get3A_52, %get3A_53] : memref<1x1xf32, #tpu.memory_space<vmem>>, vector<1x1xf32>
    %get3A_55 = vector.extract %get3A_54[0, 0] : f32 from vector<1x1xf32>
    %sub3A = vector.broadcast %get3A_55 : f32 to vector<1x2000xf32>
    %sub3A_56 = arith.subf %add3A_49, %sub3A : vector<1x2000xf32>
    %exp3A = math.exp %sub3A_56 : vector<1x2000xf32>
    %get3A_57 = arith.constant 0 : index
    %get3A_58 = arith.constant 0 : index
    %get3A_59 = vector.load %arg15[%get3A_57, %get3A_58] : memref<1x2000xf32, #tpu.memory_space<vmem>>, vector<1x2000xf32>
    %add3A_60 = arith.addf %get3A_59, %exp3A : vector<1x2000xf32>
    %swap3A_61 = arith.constant 0 : index
    %swap3A_62 = arith.constant 0 : index
    %swap3A_63 = vector.load %arg15[%swap3A_61, %swap3A_62] : memref<1x2000xf32, #tpu.memory_space<vmem>>, vector<1x2000xf32>
    tpu.vector_store %arg15[%swap3A_61, %swap3A_62], %add3A_60 {strides = array<i32>} : memref<1x2000xf32, #tpu.memory_space<vmem>>, vector<1x2000xf32>,
    %get3A_64 = arith.constant 0 : index
    %get3A_65 = arith.constant 0 : index
    %get3A_66 = vector.load %arg16[%get3A_64, %get3A_65] : memref<1x512xf32, #tpu.memory_space<vmem>>, vector<1x512xf32>
    %dot_general3A_67 = arith.constant dense<0.000000e+00> : vector<1x512xf32>
    %dot_general3A_68 = tpu.matmul %exp3A, %max3A_13, %dot_general3A_67 {dimension_numbers = #tpu.dot_dimension_numbers<[1], [0], [0], [1], [0, 0, 1, 1], [], []>, transpose_lhs_hint = false} : vector<1x2000xf32>, vector<2000x512xf32>, vector<1x512xf32> -> vector<1x512xf32>
    %add3A_69 = arith.addf %get3A_66, %dot_general3A_68 : vector<1x512xf32>
    %swap3A_70 = arith.constant 0 : index
    %swap3A_71 = arith.constant 0 : index
    %swap3A_72 = vector.load %arg16[%swap3A_70, %swap3A_71] : memref<1x512xf32, #tpu.memory_space<vmem>>, vector<1x512xf32>
    tpu.vector_store %arg16[%swap3A_70, %swap3A_71], %add3A_69 {strides = array<i32>} : memref<1x512xf32, #tpu.memory_space<vmem>>, vector<1x512xf32>,
    %eq3A_73 = arith.constant 49 : i32
    %eq3A_74 = arith.cmpi eq, %arg0, %eq3A_73 : i32
    %convert_element_type3A_75 = arith.extui %eq3A_74 : i1 to i32
    %cond3A_76 = arith.constant 0 : i32
    %cond3A_77 = arith.cmpi ne, %convert_element_type3A_75, %cond3A_76 : i32
    scf.if %cond3A_77 {
      %get3A_78 = arith.constant 0 : index
      %get3A_79 = arith.constant 0 : index
      %get3A_80 = vector.load %arg14[%get3A_78, %get3A_79] : memref<50x2000xf32, #tpu.memory_space<vmem>>, vector<50x2000xf32>
      %iota3A = tpu.iota {dimensions = array<i32: 0>} : vector<50x2000xi32>
      %mul3A_81 = arith.constant 2000 : i32
      %mul3A_82 = vector.broadcast %mul3A_81 : i32 to vector<50x2000xi32>
      %mul3A_83 = arith.muli %iota3A, %mul3A_82 : vector<50x2000xi32>
      %iota3A_84 = tpu.iota {dimensions = array<i32: 1>} : vector<50x2000xi32>
      %add3A_85 = arith.addi %mul3A_83, %iota3A_84 : vector<50x2000xi32>
      %reduce_max3A = vector.shape_cast %get3A_80 : vector<50x2000xf32> to vector<1x50x2000xf32>
      %reduce_max3A_86 = arith.constant dense<0xFF800000> : vector<1xf32>
      %reduce_max3A_87 = vector.multi_reduction <maximumf>, %reduce_max3A, %reduce_max3A_86 [1, 2] : vector<1x50x2000xf32> to vector<1xf32>
      %reduce_max3A_88 = vector.shape_cast %reduce_max3A_87 : vector<1xf32> to vector<1x1x1xf32>
      %reduce_max3A_89 = vector.extract %reduce_max3A_88[0, 0, 0] : f32 from vector<1x1x1xf32>
      %eq3A_90 = vector.broadcast %reduce_max3A_89 : f32 to vector<50x2000xf32>
      %eq3A_91 = arith.cmpf oeq, %get3A_80, %eq3A_90 : vector<50x2000xf32>
      %jit3A = arith.constant 1073741824 : i32
      %broadcast_in_dim3A = vector.broadcast %jit3A : i32 to vector<50x2000xi32>
      %select_n3A = arith.select %eq3A_91, %add3A_85, %broadcast_in_dim3A : vector<50x2000xi1>, vector<50x2000xi32>
      %reduce_min3A = vector.shape_cast %select_n3A : vector<50x2000xi32> to vector<1x50x2000xi32>
      %reduce_min3A_92 = arith.constant dense<2147483647> : vector<1xi32>
      %reduce_min3A_93 = vector.multi_reduction <minsi>, %reduce_min3A, %reduce_min3A_92 [1, 2] : vector<1x50x2000xi32> to vector<1xi32>
      %reduce_min3A_94 = vector.shape_cast %reduce_min3A_93 : vector<1xi32> to vector<1x1x1xi32>
      %reduce_min3A_95 = vector.extract %reduce_min3A_94[0, 0, 0] : i32 from vector<1x1x1xi32>
      %eq3A_96 = vector.broadcast %reduce_min3A_95 : i32 to vector<50x2000xi32>
      %eq3A_97 = arith.cmpi eq, %add3A_85, %eq3A_96 : vector<50x2000xi32>
      %jit3A_98 = arith.constant 0xFF800000 : f32
      %broadcast_in_dim3A_99 = vector.broadcast %jit3A_98 : f32 to vector<50x2000xf32>
      %select_n3A_100 = arith.select %eq3A_97, %broadcast_in_dim3A_99, %get3A_80 : vector<50x2000xi1>, vector<50x2000xf32>
      %reduce_max3A_101 = vector.shape_cast %select_n3A_100 : vector<50x2000xf32> to vector<1x50x2000xf32>
      %reduce_max3A_102 = arith.constant dense<0xFF800000> : vector<1xf32>
      %reduce_max3A_103 = vector.multi_reduction <maximumf>, %reduce_max3A_101, %reduce_max3A_102 [1, 2] : vector<1x50x2000xf32> to vector<1xf32>
      %reduce_max3A_104 = vector.shape_cast %reduce_max3A_103 : vector<1xf32> to vector<1x1x1xf32>
      %reduce_max3A_105 = vector.extract %reduce_max3A_104[0, 0, 0] : f32 from vector<1x1x1xf32>
      %eq3A_106 = vector.broadcast %reduce_max3A_105 : f32 to vector<50x2000xf32>
      %eq3A_107 = arith.cmpf oeq, %select_n3A_100, %eq3A_106 : vector<50x2000xf32>
      %jit3A_108 = arith.constant 1073741824 : i32
      %broadcast_in_dim3A_109 = vector.broadcast %jit3A_108 : i32 to vector<50x2000xi32>
      %select_n3A_110 = arith.select %eq3A_107, %add3A_85, %broadcast_in_dim3A_109 : vector<50x2000xi1>, vector<50x2000xi32>
      %reduce_min3A_111 = vector.shape_cast %select_n3A_110 : vector<50x2000xi32> to vector<1x50x2000xi32>
      %reduce_min3A_112 = arith.constant dense<2147483647> : vector<1xi32>
      %reduce_min3A_113 = vector.multi_reduction <minsi>, %reduce_min3A_111, %reduce_min3A_112 [1, 2] : vector<1x50x2000xi32> to vector<1xi32>
      %reduce_min3A_114 = vector.shape_cast %reduce_min3A_113 : vector<1xi32> to vector<1x1x1xi32>
      %reduce_min3A_115 = vector.extract %reduce_min3A_114[0, 0, 0] : i32 from vector<1x1x1xi32>
      %eq3A_116 = vector.broadcast %reduce_min3A_115 : i32 to vector<50x2000xi32>
      %eq3A_117 = arith.cmpi eq, %add3A_85, %eq3A_116 : vector<50x2000xi32>
      %jit3A_118 = arith.constant 0xFF800000 : f32
      %broadcast_in_dim3A_119 = vector.broadcast %jit3A_118 : f32 to vector<50x2000xf32>
      %select_n3A_120 = arith.select %eq3A_117, %broadcast_in_dim3A_119, %select_n3A_100 : vector<50x2000xi1>, vector<50x2000xf32>
      %reduce_max3A_121 = vector.shape_cast %select_n3A_120 : vector<50x2000xf32> to vector<1x50x2000xf32>
      %reduce_max3A_122 = arith.constant dense<0xFF800000> : vector<1xf32>
      %reduce_max3A_123 = vector.multi_reduction <maximumf>, %reduce_max3A_121, %reduce_max3A_122 [1, 2] : vector<1x50x2000xf32> to vector<1xf32>
      %reduce_max3A_124 = vector.shape_cast %reduce_max3A_123 : vector<1xf32> to vector<1x1x1xf32>
      %reduce_max3A_125 = vector.extract %reduce_max3A_124[0, 0, 0] : f32 from vector<1x1x1xf32>
      %eq3A_126 = vector.broadcast %reduce_max3A_125 : f32 to vector<50x2000xf32>
      %eq3A_127 = arith.cmpf oeq, %select_n3A_120, %eq3A_126 : vector<50x2000xf32>
      %jit3A_128 = arith.constant 1073741824 : i32
      %broadcast_in_dim3A_129 = vector.broadcast %jit3A_128 : i32 to vector<50x2000xi32>
      %select_n3A_130 = arith.select %eq3A_127, %add3A_85, %broadcast_in_dim3A_129 : vector<50x2000xi1>, vector<50x2000xi32>
      %reduce_min3A_131 = vector.shape_cast %select_n3A_130 : vector<50x2000xi32> to vector<1x50x2000xi32>
      %reduce_min3A_132 = arith.constant dense<2147483647> : vector<1xi32>
      %reduce_min3A_133 = vector.multi_reduction <minsi>, %reduce_min3A_131, %reduce_min3A_132 [1, 2] : vector<1x50x2000xi32> to vector<1xi32>
      %reduce_min3A_134 = vector.shape_cast %reduce_min3A_133 : vector<1xi32> to vector<1x1x1xi32>
      %reduce_min3A_135 = vector.extract %reduce_min3A_134[0, 0, 0] : i32 from vector<1x1x1xi32>
      %eq3A_136 = vector.broadcast %reduce_min3A_135 : i32 to vector<50x2000xi32>
      %eq3A_137 = arith.cmpi eq, %add3A_85, %eq3A_136 : vector<50x2000xi32>
      %jit3A_138 = arith.constant 0xFF800000 : f32
      %broadcast_in_dim3A_139 = vector.broadcast %jit3A_138 : f32 to vector<50x2000xf32>
      %select_n3A_140 = arith.select %eq3A_137, %broadcast_in_dim3A_139, %select_n3A_120 : vector<50x2000xi1>, vector<50x2000xf32>
      %reduce_max3A_141 = vector.shape_cast %select_n3A_140 : vector<50x2000xf32> to vector<1x50x2000xf32>
      %reduce_max3A_142 = arith.constant dense<0xFF800000> : vector<1xf32>
      %reduce_max3A_143 = vector.multi_reduction <maximumf>, %reduce_max3A_141, %reduce_max3A_142 [1, 2] : vector<1x50x2000xf32> to vector<1xf32>
      %reduce_max3A_144 = vector.shape_cast %reduce_max3A_143 : vector<1xf32> to vector<1x1x1xf32>
      %reduce_max3A_145 = vector.extract %reduce_max3A_144[0, 0, 0] : f32 from vector<1x1x1xf32>
      %eq3A_146 = vector.broadcast %reduce_max3A_145 : f32 to vector<50x2000xf32>
      %eq3A_147 = arith.cmpf oeq, %select_n3A_140, %eq3A_146 : vector<50x2000xf32>
      %jit3A_148 = arith.constant 1073741824 : i32
      %broadcast_in_dim3A_149 = vector.broadcast %jit3A_148 : i32 to vector<50x2000xi32>
      %select_n3A_150 = arith.select %eq3A_147, %add3A_85, %broadcast_in_dim3A_149 : vector<50x2000xi1>, vector<50x2000xi32>
      %reduce_min3A_151 = vector.shape_cast %select_n3A_150 : vector<50x2000xi32> to vector<1x50x2000xi32>
      %reduce_min3A_152 = arith.constant dense<2147483647> : vector<1xi32>
      %reduce_min3A_153 = vector.multi_reduction <minsi>, %reduce_min3A_151, %reduce_min3A_152 [1, 2] : vector<1x50x2000xi32> to vector<1xi32>
      %reduce_min3A_154 = vector.shape_cast %reduce_min3A_153 : vector<1xi32> to vector<1x1x1xi32>
      %reduce_min3A_155 = vector.extract %reduce_min3A_154[0, 0, 0] : i32 from vector<1x1x1xi32>
      %reduce_min3A_156 = vector.shape_cast %get3A_80 : vector<50x2000xf32> to vector<1x50x2000xf32>
      %reduce_min3A_157 = arith.constant dense<0x7F800000> : vector<1xf32>
      %reduce_min3A_158 = vector.multi_reduction <minimumf>, %reduce_min3A_156, %reduce_min3A_157 [1, 2] : vector<1x50x2000xf32> to vector<1xf32>
      %reduce_min3A_159 = vector.shape_cast %reduce_min3A_158 : vector<1xf32> to vector<1x1x1xf32>
      %reduce_min3A_160 = vector.extract %reduce_min3A_159[0, 0, 0] : f32 from vector<1x1x1xf32>
      %eq3A_161 = vector.broadcast %reduce_min3A_160 : f32 to vector<50x2000xf32>
      %eq3A_162 = arith.cmpf oeq, %get3A_80, %eq3A_161 : vector<50x2000xf32>
      %jit3A_163 = arith.constant 1073741824 : i32
      %broadcast_in_dim3A_164 = vector.broadcast %jit3A_163 : i32 to vector<50x2000xi32>
      %select_n3A_165 = arith.select %eq3A_162, %add3A_85, %broadcast_in_dim3A_164 : vector<50x2000xi1>, vector<50x2000xi32>
      %reduce_min3A_166 = vector.shape_cast %select_n3A_165 : vector<50x2000xi32> to vector<1x50x2000xi32>
      %reduce_min3A_167 = arith.constant dense<2147483647> : vector<1xi32>
      %reduce_min3A_168 = vector.multi_reduction <minsi>, %reduce_min3A_166, %reduce_min3A_167 [1, 2] : vector<1x50x2000xi32> to vector<1xi32>
      %reduce_min3A_169 = vector.shape_cast %reduce_min3A_168 : vector<1xi32> to vector<1x1x1xi32>
      %reduce_min3A_170 = vector.extract %reduce_min3A_169[0, 0, 0] : i32 from vector<1x1x1xi32>
      %eq3A_171 = vector.broadcast %reduce_min3A_170 : i32 to vector<50x2000xi32>
      %eq3A_172 = arith.cmpi eq, %add3A_85, %eq3A_171 : vector<50x2000xi32>
      %jit3A_173 = arith.constant 0x7F800000 : f32
      %broadcast_in_dim3A_174 = vector.broadcast %jit3A_173 : f32 to vector<50x2000xf32>
      %select_n3A_175 = arith.select %eq3A_172, %broadcast_in_dim3A_174, %get3A_80 : vector<50x2000xi1>, vector<50x2000xf32>
      %reduce_min3A_176 = vector.shape_cast %select_n3A_175 : vector<50x2000xf32> to vector<1x50x2000xf32>
      %reduce_min3A_177 = arith.constant dense<0x7F800000> : vector<1xf32>
      %reduce_min3A_178 = vector.multi_reduction <minimumf>, %reduce_min3A_176, %reduce_min3A_177 [1, 2] : vector<1x50x2000xf32> to vector<1xf32>
      %reduce_min3A_179 = vector.shape_cast %reduce_min3A_178 : vector<1xf32> to vector<1x1x1xf32>
      %reduce_min3A_180 = vector.extract %reduce_min3A_179[0, 0, 0] : f32 from vector<1x1x1xf32>
      %eq3A_181 = vector.broadcast %reduce_min3A_180 : f32 to vector<50x2000xf32>
      %eq3A_182 = arith.cmpf oeq, %select_n3A_175, %eq3A_181 : vector<50x2000xf32>
      %jit3A_183 = arith.constant 1073741824 : i32
      %broadcast_in_dim3A_184 = vector.broadcast %jit3A_183 : i32 to vector<50x2000xi32>
      %select_n3A_185 = arith.select %eq3A_182, %add3A_85, %broadcast_in_dim3A_184 : vector<50x2000xi1>, vector<50x2000xi32>
      %reduce_min3A_186 = vector.shape_cast %select_n3A_185 : vector<50x2000xi32> to vector<1x50x2000xi32>
      %reduce_min3A_187 = arith.constant dense<2147483647> : vector<1xi32>
      %reduce_min3A_188 = vector.multi_reduction <minsi>, %reduce_min3A_186, %reduce_min3A_187 [1, 2] : vector<1x50x2000xi32> to vector<1xi32>
      %reduce_min3A_189 = vector.shape_cast %reduce_min3A_188 : vector<1xi32> to vector<1x1x1xi32>
      %reduce_min3A_190 = vector.extract %reduce_min3A_189[0, 0, 0] : i32 from vector<1x1x1xi32>
      %eq3A_191 = vector.broadcast %reduce_min3A_190 : i32 to vector<50x2000xi32>
      %eq3A_192 = arith.cmpi eq, %add3A_85, %eq3A_191 : vector<50x2000xi32>
      %jit3A_193 = arith.constant 0x7F800000 : f32
      %broadcast_in_dim3A_194 = vector.broadcast %jit3A_193 : f32 to vector<50x2000xf32>
      %select_n3A_195 = arith.select %eq3A_192, %broadcast_in_dim3A_194, %select_n3A_175 : vector<50x2000xi1>, vector<50x2000xf32>
      %reduce_min3A_196 = vector.shape_cast %select_n3A_195 : vector<50x2000xf32> to vector<1x50x2000xf32>
      %reduce_min3A_197 = arith.constant dense<0x7F800000> : vector<1xf32>
      %reduce_min3A_198 = vector.multi_reduction <minimumf>, %reduce_min3A_196, %reduce_min3A_197 [1, 2] : vector<1x50x2000xf32> to vector<1xf32>
      %reduce_min3A_199 = vector.shape_cast %reduce_min3A_198 : vector<1xf32> to vector<1x1x1xf32>
      %reduce_min3A_200 = vector.extract %reduce_min3A_199[0, 0, 0] : f32 from vector<1x1x1xf32>
      %eq3A_201 = vector.broadcast %reduce_min3A_200 : f32 to vector<50x2000xf32>
      %eq3A_202 = arith.cmpf oeq, %select_n3A_195, %eq3A_201 : vector<50x2000xf32>
      %jit3A_203 = arith.constant 1073741824 : i32
      %broadcast_in_dim3A_204 = vector.broadcast %jit3A_203 : i32 to vector<50x2000xi32>
      %select_n3A_205 = arith.select %eq3A_202, %add3A_85, %broadcast_in_dim3A_204 : vector<50x2000xi1>, vector<50x2000xi32>
      %reduce_min3A_206 = vector.shape_cast %select_n3A_205 : vector<50x2000xi32> to vector<1x50x2000xi32>
      %reduce_min3A_207 = arith.constant dense<2147483647> : vector<1xi32>
      %reduce_min3A_208 = vector.multi_reduction <minsi>, %reduce_min3A_206, %reduce_min3A_207 [1, 2] : vector<1x50x2000xi32> to vector<1xi32>
      %reduce_min3A_209 = vector.shape_cast %reduce_min3A_208 : vector<1xi32> to vector<1x1x1xi32>
      %reduce_min3A_210 = vector.extract %reduce_min3A_209[0, 0, 0] : i32 from vector<1x1x1xi32>
      %eq3A_211 = vector.broadcast %reduce_min3A_210 : i32 to vector<50x2000xi32>
      %eq3A_212 = arith.cmpi eq, %add3A_85, %eq3A_211 : vector<50x2000xi32>
      %jit3A_213 = arith.constant 0x7F800000 : f32
      %broadcast_in_dim3A_214 = vector.broadcast %jit3A_213 : f32 to vector<50x2000xf32>
      %select_n3A_215 = arith.select %eq3A_212, %broadcast_in_dim3A_214, %select_n3A_195 : vector<50x2000xi1>, vector<50x2000xf32>
      %reduce_min3A_216 = vector.shape_cast %select_n3A_215 : vector<50x2000xf32> to vector<1x50x2000xf32>
      %reduce_min3A_217 = arith.constant dense<0x7F800000> : vector<1xf32>
      %reduce_min3A_218 = vector.multi_reduction <minimumf>, %reduce_min3A_216, %reduce_min3A_217 [1, 2] : vector<1x50x2000xf32> to vector<1xf32>
      %reduce_min3A_219 = vector.shape_cast %reduce_min3A_218 : vector<1xf32> to vector<1x1x1xf32>
      %reduce_min3A_220 = vector.extract %reduce_min3A_219[0, 0, 0] : f32 from vector<1x1x1xf32>
      %eq3A_221 = vector.broadcast %reduce_min3A_220 : f32 to vector<50x2000xf32>
      %eq3A_222 = arith.cmpf oeq, %select_n3A_215, %eq3A_221 : vector<50x2000xf32>
      %jit3A_223 = arith.constant 1073741824 : i32
      %broadcast_in_dim3A_224 = vector.broadcast %jit3A_223 : i32 to vector<50x2000xi32>
      %select_n3A_225 = arith.select %eq3A_222, %add3A_85, %broadcast_in_dim3A_224 : vector<50x2000xi1>, vector<50x2000xi32>
      %reduce_min3A_226 = vector.shape_cast %select_n3A_225 : vector<50x2000xi32> to vector<1x50x2000xi32>
      %reduce_min3A_227 = arith.constant dense<2147483647> : vector<1xi32>
      %reduce_min3A_228 = vector.multi_reduction <minsi>, %reduce_min3A_226, %reduce_min3A_227 [1, 2] : vector<1x50x2000xi32> to vector<1xi32>
      %reduce_min3A_229 = vector.shape_cast %reduce_min3A_228 : vector<1xi32> to vector<1x1x1xi32>
      %reduce_min3A_230 = vector.extract %reduce_min3A_229[0, 0, 0] : i32 from vector<1x1x1xi32>
      %stack3A = vector.broadcast %reduce_min3A_95 : i32 to vector<1xi32>
      %stack3A_231 = vector.broadcast %reduce_min3A_115 : i32 to vector<1xi32>
      %stack3A_232 = vector.broadcast %reduce_min3A_135 : i32 to vector<1xi32>
      %stack3A_233 = vector.broadcast %reduce_min3A_155 : i32 to vector<1xi32>
      %stack3A_234 = vector.broadcast %reduce_min3A_170 : i32 to vector<1xi32>
      %stack3A_235 = vector.broadcast %reduce_min3A_190 : i32 to vector<1xi32>
      %stack3A_236 = vector.broadcast %reduce_min3A_210 : i32 to vector<1xi32>
      %stack3A_237 = vector.broadcast %reduce_min3A_230 : i32 to vector<1xi32>
      %stack3A_238 = tpu.concatenate %stack3A, %stack3A_231, %stack3A_232, %stack3A_233, %stack3A_234, %stack3A_235, %stack3A_236, %stack3A_237 in 0 : vector<1xi32>, vector<1xi32>, vector<1xi32>, vector<1xi32>, vector<1xi32>, vector<1xi32>, vector<1xi32>, vector<1xi32> -> vector<8xi32>
      %reshape3A = vector.shape_cast %stack3A_238 : vector<8xi32> to vector<1x8xi32>
      %swap3A_239 = arith.constant 0 : index
      %swap3A_240 = arith.constant 0 : index
      %swap3A_241 = vector.load %arg11[%swap3A_239, %swap3A_240] : memref<1x8xi32, #tpu.memory_space<vmem>>, vector<1x8xi32>
      tpu.vector_store %arg11[%swap3A_239, %swap3A_240], %reshape3A {strides = array<i32>} : memref<1x8xi32, #tpu.memory_space<vmem>>, vector<1x8xi32>,
      %get3A_242 = arith.constant 0 : index
      %get3A_243 = arith.constant 0 : index
      %get3A_244 = vector.load %arg15[%get3A_242, %get3A_243] : memref<1x2000xf32, #tpu.memory_space<vmem>>, vector<1x2000xf32>
      %reduce_sum3A = vector.shape_cast %get3A_244 : vector<1x2000xf32> to vector<1x1x2000xf32>
      %reduce_sum3A_245 = arith.constant dense<0.000000e+00> : vector<1xf32>
      %reduce_sum3A_246 = vector.multi_reduction <add>, %reduce_sum3A, %reduce_sum3A_245 [1, 2] : vector<1x1x2000xf32> to vector<1xf32>
      %reduce_sum3A_247 = vector.shape_cast %reduce_sum3A_246 : vector<1xf32> to vector<1x1x1xf32>
      %reduce_sum3A_248 = vector.extract %reduce_sum3A_247[0, 0, 0] : f32 from vector<1x1x1xf32>
      %reshape3A_249 = vector.broadcast %reduce_sum3A_248 : f32 to vector<1x1xf32>
      %swap3A_250 = arith.constant 0 : index
      %swap3A_251 = arith.constant 0 : index
      %swap3A_252 = vector.load %arg12[%swap3A_250, %swap3A_251] : memref<1x1xf32, #tpu.memory_space<vmem>>, vector<1x1xf32>
      tpu.vector_store %arg12[%swap3A_250, %swap3A_251], %reshape3A_249 {strides = array<i32>} : memref<1x1xf32, #tpu.memory_space<vmem>>, vector<1x1xf32>,
      %get3A_253 = arith.constant 0 : index
      %get3A_254 = arith.constant 0 : index
      %get3A_255 = vector.load %arg16[%get3A_253, %get3A_254] : memref<1x512xf32, #tpu.memory_space<vmem>>, vector<1x512xf32>
      %swap3A_256 = arith.constant 0 : index
      %swap3A_257 = arith.constant 0 : index
      %swap3A_258 = vector.load %arg13[%swap3A_256, %swap3A_257] : memref<1x512xf32, #tpu.memory_space<vmem>>, vector<1x512xf32>
      tpu.vector_store %arg13[%swap3A_256, %swap3A_257], %get3A_255 {strides = array<i32>} : memref<1x512xf32, #tpu.memory_space<vmem>>, vector<1x512xf32>,
    } else {
    }
    return
  }
  func.func @transform_0(%arg0: i32) -> (i32, i32) {
    %c0_i32 = arith.constant 0 : i32
    %c0_i32_0 = arith.constant 0 : i32
    return %arg0, %c0_i32 : i32, i32
  }
  func.func @transform_1(%arg0: i32) -> (i32, i32) {
    %c0_i32 = arith.constant 0 : i32
    %c0_i32_0 = arith.constant 0 : i32
    %c0_i32_1 = arith.constant 0 : i32
    return %c0_i32, %c0_i32_0 : i32, i32
  }
  func.func @transform_2(%arg0: i32) -> (i32, i32) {
    %c0_i32 = arith.constant 0 : i32
    %c0_i32_0 = arith.constant 0 : i32
    %c0_i32_1 = arith.constant 0 : i32
    return %c0_i32, %c0_i32_0 : i32, i32
  }
  func.func @transform_3(%arg0: i32) -> (i32, i32) {
    %c0_i32 = arith.constant 0 : i32
    %c0_i32_0 = arith.constant 0 : i32
    %c0_i32_1 = arith.constant 0 : i32
    return %c0_i32, %c0_i32_0 : i32, i32
  }
  func.func @transform_4(%arg0: i32) -> (i32, i32) {
    %c0_i32 = arith.constant 0 : i32
    %c0_i32_0 = arith.constant 0 : i32
    %c0_i32_1 = arith.constant 0 : i32
    return %c0_i32, %c0_i32_0 : i32, i32
  }
  func.func @transform_5(%arg0: i32) -> (i32, i32) {
    %c0_i32 = arith.constant 0 : i32
    %c0_i32_0 = arith.constant 0 : i32
    %c0_i32_1 = arith.constant 0 : i32
    return %c0_i32, %c0_i32_0 : i32, i32
  }
  func.func @transform_6(%arg0: i32) -> (i32, i32) {
    %c0_i32 = arith.constant 0 : i32
    %c0_i32_0 = arith.constant 0 : i32
    %c0_i32_1 = arith.constant 0 : i32
    return %c0_i32, %c0_i32_0 : i32, i32
  }
  func.func @transform_7(%arg0: i32) -> (i32, i32) {
    %c0_i32 = arith.constant 0 : i32
    %c0_i32_0 = arith.constant 0 : i32
    %c0_i32_1 = arith.constant 0 : i32
    return %c0_i32, %c0_i32_0 : i32, i32
  }
  func.func @transform_8(%arg0: i32) -> (i32, i32) {
    %c0_i32 = arith.constant 0 : i32
    %c0_i32_0 = arith.constant 0 : i32
    %c0_i32_1 = arith.constant 0 : i32
    return %c0_i32, %c0_i32_0 : i32, i32
  }
  func.func @transform_9(%arg0: i32) -> (i32, i32) {
    %c0_i32 = arith.constant 0 : i32
    %c0_i32_0 = arith.constant 0 : i32
    %c0_i32_1 = arith.constant 0 : i32
    return %c0_i32, %c0_i32_0 : i32, i32
  }
  func.func @transform_10(%arg0: i32) -> (i32, i32) {
    %c0_i32 = arith.constant 0 : i32
    %c0_i32_0 = arith.constant 0 : i32
    %c0_i32_1 = arith.constant 0 : i32
    return %c0_i32, %c0_i32_0 : i32, i32
  }
  func.func @transform_11(%arg0: i32) -> (i32, i32) {
    %c0_i32 = arith.constant 0 : i32
    %c0_i32_0 = arith.constant 0 : i32
    %c0_i32_1 = arith.constant 0 : i32
    return %c0_i32, %c0_i32_0 : i32, i32
  }
  func.func @transform_12(%arg0: i32) -> (i32, i32) {
    %c0_i32 = arith.constant 0 : i32
    %c0_i32_0 = arith.constant 0 : i32
    %c0_i32_1 = arith.constant 0 : i32
    return %c0_i32, %c0_i32_0 : i32, i32
  }
}

module attributes {stable_mosaic.version = 14 : i64} {
  func.func @_final_kernel(%arg0: i32, %arg1: memref<8x768xf32, #tpu.memory_space<vmem>>, %arg2: memref<768x512xf32, #tpu.memory_space<vmem>>, %arg3: memref<1x512xf32, #tpu.memory_space<vmem>>, %arg4: memref<512x2xf32, #tpu.memory_space<vmem>>, %arg5: memref<1x2xf32, #tpu.memory_space<vmem>>, %arg6: memref<512x2xf32, #tpu.memory_space<vmem>>, %arg7: memref<1x2xf32, #tpu.memory_space<vmem>>, %arg8: memref<1x1xf32, #tpu.memory_space<vmem>>, %arg9: memref<1x512xf32, #tpu.memory_space<vmem>>, %arg10: memref<16x128xf32, #tpu.memory_space<vmem>>) attributes {dimension_semantics = [#tpu.dimension_semantics<arbitrary>], iteration_bounds = array<i64: 1>, scalar_prefetch = 0 : i64, scratch_operands = 0 : i64, tpu.core_type = #tpu.core_type<tc>, window_params = [{pipeline_mode = #tpu.pipeline_mode<synchronous>, transform_indices = @transform_0, window_bounds = array<i64: 8, 768>}, {pipeline_mode = #tpu.pipeline_mode<synchronous>, transform_indices = @transform_1, window_bounds = array<i64: 768, 512>}, {pipeline_mode = #tpu.pipeline_mode<synchronous>, transform_indices = @transform_2, window_bounds = array<i64: 1, 512>}, {pipeline_mode = #tpu.pipeline_mode<synchronous>, transform_indices = @transform_3, window_bounds = array<i64: 512, 2>}, {pipeline_mode = #tpu.pipeline_mode<synchronous>, transform_indices = @transform_4, window_bounds = array<i64: 1, 2>}, {pipeline_mode = #tpu.pipeline_mode<synchronous>, transform_indices = @transform_5, window_bounds = array<i64: 512, 2>}, {pipeline_mode = #tpu.pipeline_mode<synchronous>, transform_indices = @transform_6, window_bounds = array<i64: 1, 2>}, {pipeline_mode = #tpu.pipeline_mode<synchronous>, transform_indices = @transform_7, window_bounds = array<i64: 1, 1>}, {pipeline_mode = #tpu.pipeline_mode<synchronous>, transform_indices = @transform_8, window_bounds = array<i64: 1, 512>}, {pipeline_mode = #tpu.pipeline_mode<synchronous>, transform_indices = @transform_9, window_bounds = array<i64: 16, 128>}]} {
    %get3A = arith.constant 0 : index
    %get3A_0 = arith.constant 0 : index
    %get3A_1 = vector.load %arg1[%get3A, %get3A_0] : memref<8x768xf32, #tpu.memory_space<vmem>>, vector<8x768xf32>
    %get3A_2 = arith.constant 0 : index
    %get3A_3 = arith.constant 0 : index
    %get3A_4 = vector.load %arg2[%get3A_2, %get3A_3] : memref<768x512xf32, #tpu.memory_space<vmem>>, vector<768x512xf32>
    %dot_general3A = arith.constant dense<0.000000e+00> : vector<8x512xf32>
    %dot_general3A_5 = tpu.matmul %get3A_1, %get3A_4, %dot_general3A {dimension_numbers = #tpu.dot_dimension_numbers<[1], [0], [0], [1], [0, 0, 1, 1], [], []>, transpose_lhs_hint = false} : vector<8x768xf32>, vector<768x512xf32>, vector<8x512xf32> -> vector<8x512xf32>
    %get3A_6 = arith.constant 0 : index
    %get3A_7 = arith.constant 0 : index
    %get3A_8 = vector.load %arg3[%get3A_6, %get3A_7] : memref<1x512xf32, #tpu.memory_space<vmem>>, vector<1x512xf32>
    %add3A = vector.broadcast %get3A_8 : vector<1x512xf32> to vector<8x512xf32>
    %add3A_9 = arith.addf %dot_general3A_5, %add3A : vector<8x512xf32>
    %max3A = arith.constant 0.000000e+00 : f32
    %max3A_10 = vector.broadcast %max3A : f32 to vector<8x512xf32>
    %max3A_11 = arith.maximumf %add3A_9, %max3A_10 : vector<8x512xf32>
    %get3A_12 = arith.constant 0 : index
    %get3A_13 = arith.constant 0 : index
    %get3A_14 = vector.load %arg6[%get3A_12, %get3A_13] : memref<512x2xf32, #tpu.memory_space<vmem>>, vector<512x2xf32>
    %dot_general3A_15 = arith.constant dense<0.000000e+00> : vector<8x2xf32>
    %dot_general3A_16 = tpu.matmul %max3A_11, %get3A_14, %dot_general3A_15 {dimension_numbers = #tpu.dot_dimension_numbers<[1], [0], [0], [1], [0, 0, 1, 1], [], []>, transpose_lhs_hint = false} : vector<8x512xf32>, vector<512x2xf32>, vector<8x2xf32> -> vector<8x2xf32>
    %get3A_17 = arith.constant 0 : index
    %get3A_18 = arith.constant 0 : index
    %get3A_19 = vector.load %arg7[%get3A_17, %get3A_18] : memref<1x2xf32, #tpu.memory_space<vmem>>, vector<1x2xf32>
    %add3A_20 = vector.broadcast %get3A_19 : vector<1x2xf32> to vector<8x2xf32>
    %add3A_21 = arith.addf %dot_general3A_16, %add3A_20 : vector<8x2xf32>
    %get3A_22 = arith.constant 0 : index
    %get3A_23 = arith.constant 0 : index
    %get3A_24 = vector.load %arg9[%get3A_22, %get3A_23] : memref<1x512xf32, #tpu.memory_space<vmem>>, vector<1x512xf32>
    %get3A_25 = arith.constant 0 : index
    %get3A_26 = arith.constant 0 : index
    %get3A_27 = vector.load %arg8[%get3A_25, %get3A_26] : memref<1x1xf32, #tpu.memory_space<vmem>>, vector<1x1xf32>
    %get3A_28 = vector.extract %get3A_27[0, 0] : f32 from vector<1x1xf32>
    %div3A = vector.broadcast %get3A_28 : f32 to vector<1x512xf32>
    %div3A_29 = arith.divf %get3A_24, %div3A : vector<1x512xf32>
    %get3A_30 = arith.constant 0 : index
    %get3A_31 = arith.constant 0 : index
    %get3A_32 = vector.load %arg4[%get3A_30, %get3A_31] : memref<512x2xf32, #tpu.memory_space<vmem>>, vector<512x2xf32>
    %dot_general3A_33 = arith.constant dense<0.000000e+00> : vector<1x2xf32>
    %dot_general3A_34 = tpu.matmul %div3A_29, %get3A_32, %dot_general3A_33 {dimension_numbers = #tpu.dot_dimension_numbers<[1], [0], [0], [1], [0, 0, 1, 1], [], []>, transpose_lhs_hint = false} : vector<1x512xf32>, vector<512x2xf32>, vector<1x2xf32> -> vector<1x2xf32>
    %get3A_35 = arith.constant 0 : index
    %get3A_36 = arith.constant 0 : index
    %get3A_37 = vector.load %arg5[%get3A_35, %get3A_36] : memref<1x2xf32, #tpu.memory_space<vmem>>, vector<1x2xf32>
    %add3A_38 = arith.addf %dot_general3A_34, %get3A_37 : vector<1x2xf32>
    %broadcast_in_dim3A = arith.constant 0.000000e+00 : f32
    %broadcast_in_dim3A_39 = vector.broadcast %broadcast_in_dim3A : f32 to vector<16x128xf32>
    %swap3A = arith.constant 0 : index
    %swap3A_40 = arith.constant 0 : index
    %swap3A_41 = vector.load %arg10[%swap3A, %swap3A_40] : memref<16x128xf32, #tpu.memory_space<vmem>>, vector<16x128xf32>
    tpu.vector_store %arg10[%swap3A, %swap3A_40], %broadcast_in_dim3A_39 {strides = array<i32>} : memref<16x128xf32, #tpu.memory_space<vmem>>, vector<16x128xf32>,
    %swap3A_42 = arith.constant 0 : index
    %swap3A_43 = arith.constant 0 : index
    %swap3A_44 = vector.load %arg10[%swap3A_42, %swap3A_43] : memref<16x128xf32, #tpu.memory_space<vmem>>, vector<1x2xf32>
    tpu.vector_store %arg10[%swap3A_42, %swap3A_43], %add3A_38 {strides = array<i32>} : memref<16x128xf32, #tpu.memory_space<vmem>>, vector<1x2xf32>,
    %swap3A_45 = arith.constant 1 : index
    %swap3A_46 = arith.constant 0 : index
    %swap3A_47 = vector.load %arg10[%swap3A_45, %swap3A_46] : memref<16x128xf32, #tpu.memory_space<vmem>>, vector<8x2xf32>
    tpu.vector_store %arg10[%swap3A_45, %swap3A_46], %add3A_21 {strides = array<i32>} : memref<16x128xf32, #tpu.memory_space<vmem>>, vector<8x2xf32>,
    return
  }
  func.func @transform_0(%arg0: i32) -> (i32, i32) {
    %c0_i32 = arith.constant 0 : i32
    %c0_i32_0 = arith.constant 0 : i32
    %c0_i32_1 = arith.constant 0 : i32
    return %c0_i32, %c0_i32_0 : i32, i32
  }
  func.func @transform_1(%arg0: i32) -> (i32, i32) {
    %c0_i32 = arith.constant 0 : i32
    %c0_i32_0 = arith.constant 0 : i32
    %c0_i32_1 = arith.constant 0 : i32
    return %c0_i32, %c0_i32_0 : i32, i32
  }
  func.func @transform_2(%arg0: i32) -> (i32, i32) {
    %c0_i32 = arith.constant 0 : i32
    %c0_i32_0 = arith.constant 0 : i32
    %c0_i32_1 = arith.constant 0 : i32
    return %c0_i32, %c0_i32_0 : i32, i32
  }
  func.func @transform_3(%arg0: i32) -> (i32, i32) {
    %c0_i32 = arith.constant 0 : i32
    %c0_i32_0 = arith.constant 0 : i32
    %c0_i32_1 = arith.constant 0 : i32
    return %c0_i32, %c0_i32_0 : i32, i32
  }
  func.func @transform_4(%arg0: i32) -> (i32, i32) {
    %c0_i32 = arith.constant 0 : i32
    %c0_i32_0 = arith.constant 0 : i32
    %c0_i32_1 = arith.constant 0 : i32
    return %c0_i32, %c0_i32_0 : i32, i32
  }
  func.func @transform_5(%arg0: i32) -> (i32, i32) {
    %c0_i32 = arith.constant 0 : i32
    %c0_i32_0 = arith.constant 0 : i32
    %c0_i32_1 = arith.constant 0 : i32
    return %c0_i32, %c0_i32_0 : i32, i32
  }
  func.func @transform_6(%arg0: i32) -> (i32, i32) {
    %c0_i32 = arith.constant 0 : i32
    %c0_i32_0 = arith.constant 0 : i32
    %c0_i32_1 = arith.constant 0 : i32
    return %c0_i32, %c0_i32_0 : i32, i32
  }
  func.func @transform_7(%arg0: i32) -> (i32, i32) {
    %c0_i32 = arith.constant 0 : i32
    %c0_i32_0 = arith.constant 0 : i32
    %c0_i32_1 = arith.constant 0 : i32
    return %c0_i32, %c0_i32_0 : i32, i32
  }
  func.func @transform_8(%arg0: i32) -> (i32, i32) {
    %c0_i32 = arith.constant 0 : i32
    %c0_i32_0 = arith.constant 0 : i32
    %c0_i32_1 = arith.constant 0 : i32
    return %c0_i32, %c0_i32_0 : i32, i32
  }
  func.func @transform_9(%arg0: i32) -> (i32, i32) {
    %c0_i32 = arith.constant 0 : i32
    %c0_i32_0 = arith.constant 0 : i32
    %c0_i32_1 = arith.constant 0 : i32
    return %c0_i32, %c0_i32_0 : i32, i32
  }
}

</mosaic_0001>

<sc_bundles>
// kernel: kernel.5.cloned.1.call-start
scs
__scs_entry_jumppad:
0x0: {  	(pc) =	sbr.rel $0x88, $3  }
0x1: {  	(tag) =	ssettag $0x0;
	lr =	simm.s32 $0x1  }
0x2: {  	[smem:$0x3F94] =	sst lr;
	_ =	strace $0xD0000000  }
0x3: {  	_ = 	snop  }
0x4: {  	_ = 	snop  }
0x5: {  	_ = 	snop  }
0x6: {  	_ = 	snop  }
0x7: {  	_ = 	snop  }
__scs_overlays_trampoline_lowered:
0x8: {  	[smem:$0x3FA3] =	sst s0  }
0x9: {  	[smem:$0x3FA4] =	sst s1  }
0xa: {  	[smem:$0x3FA5] =	sst s2  }
0xb: {  	[smem:$0x3FA6] =	sst s3  }
0xc: {  	[smem:$0x3FA7] =	sst s4  }
0xd: {  	[smem:$0x3FA8] =	sst s5  }
0xe: {  	[smem:$0x3FA9] =	sst s6  }
0xf: {  	[smem:$0x3FAA] =	sst s7  }
0x10: {  	[smem:$0x3FAB] =	sst s8  }
0x11: {  	[smem:$0x3FAC] =	sst s9;
	s0 =	simm.s32 @!p0 $0x0  }
0x12: {  	s1 =	sld [smem:$0x3F92];
	s0 =	simm.s32 @p0 $0x1  }
0x13: {  	[smem:$0x3FAD] =	sst s0;
	s0 =	simm.s32 @!p1 $0x0  }
0x14: {  	s2 =	sld [smem:$0x3F91];
	s0 =	simm.s32 @p1 $0x1  }
0x15: {  	[smem:$0x3FAE] =	sst s0;
	s0 =	simm.s32 @!p2 $0x0  }
0x16: {  	s3 =	sld [smem:$0x3FDB];
	s0 =	simm.s32 @p2 $0x1  }
0x17: {  	s4 =	simm.s32 $0x1BF5;
	[smem:$0x3FB0] =	sst s0  }
0x18: {  	s0 =	sld [smem:$0x3F93];
	_ =	swait.ge [sflag:s4], $0x0  }
0x19: {  	s7 =	sld [smem:$0x3F94]  }
0x1a: {  	s8 =	sadd.s32 $0xFFFFE003, lr  }
0x1b: {  	s9 =	sadd.s32 $0xFFFFFEF7, lr;
	s5 =	simm.s32 $0xFFFFFFFF;
	p2 =	slt.u32 s8, $0xFFFFF086  }
0x1c: {  	p1 =	slt.u32 s9, $0xF7A;
	s5 =	simm.s32 @!p2 $0x0  }
0x1d: {  	s5 =	simm.s32 @p1 $0x1;
	p0 =	seq.s32 s7, s2  }
0x1e: {  	s7 =	smul.u32 @!p0 $0xF7A, s2;
	p2 =	seq.s32 @!p0 s5, $0x0  }
0x1f: {  	s9 =	smul.u32 $0xF7A, s1;
	s8 =	simm.s32 @!p0 $0x1BF5;
	p2 =	por !p2, p0  }
0x20: {  	[sflag:s8] =	ssyncset.s32 @!p0 $0xFFFFF086;
	s6 =	sadd.s32 @!p0 s3, s7;
	s7 =	simm.s32 @!p0 $0x108  }
0x21: {  	s3 =	sadd.s32 s3, s9;
	s6 =	sadd.s32 @!p0 $0x88, s6;
	s7 =	simm.s32 @p2 $0x1082  }
0x22: {  	[simem:s7], [sflag:s8] =	dma.local @!p0 [hbm:s6], $0xF7A  }
0x23: {  	s9 =	sor.u32 $0xD0000000, s2;
	s6 =	simm.s32 $0x108;
	_ =	swait.ge @!p0 [sflag:s8], $0x0  }
0x24: {  	s3 =	sadd.s32 $0x88, s3;
	s6 =	simm.s32 @!p1 $0x1082;
	[sflag:s4] =	ssyncset.s32 $0xFFFFF086  }
0x25: {  	[simem:s6], [sflag:s4] =	dma.local [hbm:s3], $0xF7A  }
0x26: {  	[smem:$0x3F94] =	sst s1;
	(tag) =	ssettag s2;
	_ =	strace s9  }
0x27: {  	s1 =	sld [smem:$0x3FA4]  }
0x28: {  	s2 =	sld [smem:$0x3FA5]  }
0x29: {  	s4 =	sld [smem:$0x3FA7]  }
0x2a: {  	p0 =	seq.s32 s5, $0x0;
	s5 =	sld [smem:$0x3FA8]  }
0x2b: {  	s6 =	sld [smem:$0x3FA9]  }
0x2c: {  	s7 =	sld [smem:$0x3FAA]  }
0x2d: {  	s3 =	simm.s32 $0x108;
	s8 =	sld [smem:$0x3FAB]  }
0x2e: {  	s3 =	simm.s32 @!p0 $0x1082;
	s9 =	sld [smem:$0x3FAC]  }
0x2f: {  	lr =	sadd.s32 s0, s3;
	s0 =	sld [smem:$0x3FA3]  }
0x30: {  	s3 =	sld [smem:$0x3FA6]  }
0x31: {  	[smem:$0x3FAF] =	sst s10  }
0x32: {  	s10 =	sld [smem:$0x3FAD];
	_ =	sdelay $0x3  }
0x33: {  	p0 =	seq.s32 s10, $0x1;
	s10 =	sld [smem:$0x3FAF];
	_ =	sdelay $0x3  }
0x34: {  	[smem:$0x3FAF] =	sst s10  }
0x35: {  	s10 =	sld [smem:$0x3FAE];
	_ =	sdelay $0x3  }
0x36: {  	p1 =	seq.s32 s10, $0x1;
	s10 =	sld [smem:$0x3FAF];
	_ =	sdelay $0x3  }
0x37: {  	[smem:$0x3FAF] =	sst s10  }
0x38: {  	s10 =	sld [smem:$0x3FB0]  }
0x39: {  	_ = 	snop;
	(pc) =	sbr.ind lr, $3  }
0x3a: {  	_ = 	snop  }
0x3b: {  	_ = 	snop  }
0x3c: {  	p2 =	seq.s32 s10, $0x1;
	s10 =	sld [smem:$0x3FAF]  }
0x3d: {  	_ =	shalt  }
0x3e: {  	_ =	shalt  }
0x3f: {  	_ =	shalt  }
0x40: {  	_ =	shalt  }
0x41: {  	_ =	shalt  }
0x42: {  	_ =	shalt  }
0x43: {  	_ =	shalt  }
0x44: {  	_ =	shalt  }
0x45: {  	_ =	shalt  }
0x46: {  	_ =	shalt  }
0x47: {  	_ =	shalt  }
0x48: {  	_ =	shalt  }
0x49: {  	_ =	shalt  }
0x4a: {  	_ =	shalt  }
0x4b: {  	_ =	shalt  }
0x4c: {  	_ =	shalt  }
0x4d: {  	_ =	shalt  }
0x4e: {  	_ =	shalt  }
0x4f: {  	_ =	shalt  }
0x50: {  	_ =	shalt  }
0x51: {  	_ =	shalt  }
0x52: {  	_ =	shalt  }
0x53: {  	_ =	shalt  }
0x54: {  	_ =	shalt  }
0x55: {  	_ =	shalt  }
0x56: {  	_ =	shalt  }
0x57: {  	_ =	shalt  }
0x58: {  	_ =	shalt  }
0x59: {  	_ =	shalt  }
0x5a: {  	_ =	shalt  }
0x5b: {  	_ =	shalt  }
0x5c: {  	_ =	shalt  }
0x5d: {  	_ =	shalt  }
0x5e: {  	_ =	shalt  }
0x5f: {  	_ =	shalt  }
0x60: {  	_ =	shalt  }
0x61: {  	_ =	shalt  }
0x62: {  	_ =	shalt  }
0x63: {  	_ =	shalt  }
0x64: {  	_ =	shalt  }
0x65: {  	_ =	shalt  }
0x66: {  	_ =	shalt  }
0x67: {  	_ =	shalt  }
0x68: {  	_ =	shalt  }
0x69: {  	_ =	shalt  }
0x6a: {  	_ =	shalt  }
0x6b: {  	_ =	shalt  }
0x6c: {  	_ =	shalt  }
0x6d: {  	_ =	shalt  }
0x6e: {  	_ =	shalt  }
0x6f: {  	_ =	shalt  }
0x70: {  	_ =	shalt  }
0x71: {  	_ =	shalt  }
0x72: {  	_ =	shalt  }
0x73: {  	_ =	shalt  }
0x74: {  	_ =	shalt  }
0x75: {  	_ =	shalt  }
0x76: {  	_ =	shalt  }
0x77: {  	_ =	shalt  }
0x78: {  	_ =	shalt  }
0x79: {  	_ =	shalt  }
0x7a: {  	_ =	shalt  }
0x7b: {  	_ =	shalt  }
0x7c: {  	_ =	shalt  }
0x7d: {  	_ =	shalt  }
0x7e: {  	_ =	shalt  }
0x7f: {  	_ =	shalt  }
0x80: {  	_ =	shalt  }
0x81: {  	_ =	shalt  }
0x82: {  	_ =	shalt  }
0x83: {  	_ =	shalt  }
0x84: {  	_ =	shalt  }
0x85: {  	_ =	shalt  }
0x86: {  	_ =	shalt  }
0x87: {  	_ =	shalt  }
.Lfunc_end0:
.L_simem_size_0:
called_computation_lowered:
.L_overlay_start_0:
0x88: {  	s2 =	sld [smem:$0x3FD9]  }
0x89: {  	s3 =	sld [smem:$0x3FFE];
	_ =	sdelay $0x1  }
0x8a: {  	s1 =	srdreg.scid  }
0x8b: {  	s0 =	sand.u32 $0x1, s1  }
0x8c: {  	s17 =	sshll.u32 s0, $0xA;
	s2 =	sadd.s32 s3, s2  }
0x8d: {  	s2 =	sadd.s32 s2, s17  }
0x8e: {  	[smem:$0x3FBB] =	sst s2  }
0x8f: {  	_ = 	snop  }
0x90: {  	s2 =	sld [smem:$0x3FC9]  }
0x91: {  	s18 =	sld [smem:$0x3FD0];
	(tm) =	ssettm $0x1  }
0x92: {  	s4 =	sld [smem:$0x3FFB];
	_ =	sdelay $0x3  }
0x93: {  	_ =	strace s4  }
0x94: {  	s4 =	sld [smem:$0x3FFC];
	_ =	sdelay $0x3  }
0x95: {  	_ =	strace s4  }
0x96: {  	s4 =	sld [smem:$0x3FFD];
	_ =	sdelay $0x3  }
0x97: {  	_ =	strace s4  }
0x98: {  	_ =	strace $0x8FFFFFFF  }
0x99: {  	s19 =	sld [smem:$0x3FDB];
	_ =	sdelay $0x1  }
0x9a: {  	s5 =	simm.s32 $_scs_section_size  }
0x9b: {  	s6 =	simm.s32 $_size__tile_overlayer_lowered;
	s7 =	simm.s32 $_tile_overlayer_lowered  }
0x9c: {  	s22 =	simm.s32 $0x1BFF;
	s21 =	sshll.u32 s7, $0x1;
	s4 =	sadd.s32 s5, s19  }
0x9d: {  	s8 =	simm.s32 $0x0;
	s20 =	sshll.u32 s6, $0x1;
	s6 =	sadd.s32 s21, s4  }
0x9e: {  	[timem:s8], [sflag:s22] =	dma.local [hbm:s6], s20  }
0x9f: {  	_ =	swait.ge [sflag:s22], s20  }
0xa0: {  	s5 =	ssub.s32 $0x0, s20;
	[sflag:s22] =	ssyncset.done $0x0  }
0xa1: {  	[sflag:s22] =	ssyncadd.s32 s5;
	_ =	sdelay $0x1  }
0xa2: {  	s23 =	simm.s32 $0x1B8B  }
0xa3: {  	_ =	swait.ge [sflag:s23], $0x1  }
0xa4: {  	[sflag:s23] =	ssyncset.done $0x0  }
0xa5: {  	s25 =	simm.s32 $0x1B8E;
	s24 =	sld [smem:$0x3FFE];
	[sflag:s23] =	ssyncadd.s32 $0xFFFFFFFF  }
0xa6: {  	s26 =	simm.s32 $execute0_lowered;
	[smem:$0x3FD2] =	sst s25  }
0xa7: {  	s6 =	sshll.u32 s26, $0x1;
	_ =	strace $0x80000046;
	[dreg:$0x1] =	wrdreg $0xFFFFFFFF  }
0xa8: {  	s28 =	simm.s32 $_size_execute0_lowered;
	s4 =	sadd.s32 s4, s6;
	[dreg:$0x0] =	wrdreg $0x0  }
0xa9: {  	s6 =	sshll.u32 s28, $0x1;
	[dreg:$0x2] =	wrdreg s4  }
0xaa: {  	[dreg:$0x3] =	wrdreg s6  }
0xab: {  	[dreg:$0x4] =	wrdreg $0xC0  }
0xac: {  	_ =	task [dreg:s8], $0x5FFFF  }
0xad: {  	[dreg:$0x1] =	wrdreg $0xFFFFFFFF  }
0xae: {  	[dreg:$0x0] =	wrdreg $0x60  }
0xaf: {  	[dreg:$0x2] =	wrdreg s18  }
0xb0: {  	[dreg:$0x3] =	wrdreg s2  }
0xb1: {  	[dreg:$0x4] =	wrdreg s24  }
0xb2: {  	[dreg:$0x5] =	wrdreg $0x9  }
0xb3: {  	_ =	task.clear_ibuf [dreg:s8], $0x6FFFF;
	_ =	strace $0x90000046  }
0xb4: {  	s29 =	simm.s32 $0x9;
	_ =	strace $0x80000048  }
0xb5: {  	_ =	swait.ge [sflag:s29], $0x1  }
0xb6: {  	[sflag:s29] =	ssyncadd.s32 $0xFFFFFFFF  }
0xb7: {  	_ =	strace $0x90000048  }
0xb8: {  	_ =	sfence  }
0xb9: {  	s30 =	sld [smem:$0x0];
	_ =	sdelay $0x2  }
0xba: {  	s31 =	sshll.u32 s1, $0xD;
	s1 =	sshrl.u32 s1, $0x2  }
0xbb: {  	s3 =	sand.u32 $0x4000, s31;
	s1 =	sadd.s32 s1, s30  }
0xbc: {  	s0 =	sor.u32 s3, s0;
	s1 =	sshll.u32 s1, $0x11  }
0xbd: {  	s0 =	sor.u32 s1, s0  }
0xbe: {  	s0 =	sadd.s32 $0x8F2B, s0  }
0xbf: {  	[sflag:s0] =	ssyncadd.remote.s32 $0x1  }
0xc0: {  	_ =	sfence.sel $0xFFFF  }
0xc1: {  	[dreg:$0x0] =	wrdreg $0xFFFFFFFF;
	(pc) =	sbr.abs _section_cstart, $3  }
0xc2: {  	[dreg:$0x1] =	wrdreg $0xFFFFFFFF  }
0xc3: {  	_ =	task.clear_ibuf [dreg:s8], $0x2FFFF;
	_ =	strace $0x9FFFFFFF  }
0xc4: {  	(tm) =	ssettm $0x7FFFFFFF  }
0xc5: {  	_ =	shalt  }
tec
execute0_lowered:
.L_overlay_start_1:
0x0: {  	(tag) =	ssettag $0x1  }
0x1: {  	s0 =	srdreg.scid  }
0x2: {  	s10 =	sand.u32 $0x1, s0;
	s0 =	stileid.u32  }
0x3: {  	s4 =	sshll.u32 s0, $0x1;
	s5 =	ssub.s32 $0x0, s10  }
0x4: {  	p0 =	sne.s32 s4, s5  }
.Ltmp0:
0x5: {  	_ = 	snop;
	(pc) =	sbr.rel @p0 .LBB2_4-.Ltmp0, $4  }
0x6: {  	s2 =	rddreg [dreg:$0x0]  }
0x7: {  	s3 =	rddreg [dreg:$0x1]  }
0x8: {  	s12 =	rddreg [dreg:$0x2]  }
0x9: {  	s1 =	rddreg [dreg:$0x3];
	_ =	strace $0x80000047  }
0xa: {  	s5 =	simm.s32 $0x0;
	s4 =	simm.s32 $0x2  }
0xb: {  	[tilespmem:s5], [sflag:$0x2] =	stream.linear.gather [hbm4b:s2+s5], $0x80, $0x38;
	[tilespmem:$0x1880] =	vst v63  }
0xc: {  	_ =	swait.ge [sflag:s4], $0x80  }
0xd: {  	[sflag:s4] =	ssyncset.done $0x0  }
0xe: {  	[sflag:s4] =	ssyncadd.s32 $0xFFFFFF80  }
0xf: {  	v0 =	vld.msk [tilespmem:$0x0], $0xff;
	_ =	sdelay $0x4  }
0x10: {  	v1 =	vshrl.u32 v0, $0x3  }
0x11: {  	v1 =	vmul.u32 $0x30, v1  }
0x12: {  	v2 =	vlaneseq.u32;
	v3 =	vand.u32 $0x7, v0  }
0x13: {  	v0 =	vand.u32 $0x7, v2;
	v2 =	vshrl.u32 v2, $0x3;
	v3 =	vor.u32 v3, v1  }
0x14: {  	v1 =	vmul.u32 $0x8, v2;
	v2 =	vperm.xlane v3, v0;
	_ =	sdelay $0x1  }
0x15: {  	v2 =	vadd.s32 v1, v2;
	_ =	sdelay $0x2  }
0x16: {  	s13 =	ssub.s32 $0x2, s10  }
0x17: {  	vm0 =	vmmov $0xffff;
	s6 =	simm.s32 $0x80;
	s7 =	sadd.s32 $0x100, s3;
	s14 =	sshrl.u32 s13, $0x1  }
0x18: {  	[tilespmem:s6], [sflag:$0x1] =	stream.indirect_vreg.gather [hbm4b:s3+s5], $0x80, v2, vm0, $0xb8;
	[tilespmem:$0x1880] =	vst v63  }
0x19: {  	s8 =	sadd.s32 $0x200, s3;
	s9 =	simm.s32 $0x880;
	s13 =	ssub.s32 s13, s14  }
0x1a: {  	[tilespmem:s9], [sflag:$0x1] =	stream.indirect_vreg.gather [hbm4b:s7+s5], $0x80, v2, vm0, $0xb8;
	[tilespmem:$0x1880] =	vst v63  }
0x1b: {  	s10 =	simm.s32 $0x1080;
	s11 =	simm.s32 $0x1;
	s13 =	smax.u32 s13, $0x1  }
0x1c: {  	[tilespmem:s10], [sflag:$0x1] =	stream.indirect_vreg.gather [hbm4b:s8+s5], $0x80, v2, vm0, $0xb8;
	[tilespmem:$0x1880] =	vst v63  }
0x1d: {  	p0 =	sne.s32 s13, $0x1;
	_ =	swait.ge [sflag:s11], $0x1800  }
.Ltmp1:
0x1e: {  	[sflag:s11] =	ssyncset.done $0x0;
	(pc) =	sbr.rel @!p0 .LBB2_3-.Ltmp1, $4  }
0x1f: {  	s12 =	sadd.s32 $0x2800, s12;
	[sflag:s11] =	ssyncadd.s32 $0xFFFFE800  }
0x20: {  	[hbm4b:s12+s5] =	stream.linear.scatter [tilespmem:s6], [sflag:$0x2], $0x1800, $0x38;
	[tilespmem:$0x1880] =	vst v63  }
0x21: {  	_ =	swait.ge [sflag:s4], $0x1800  }
0x22: {  	s13 =	sadd.s32 $0xFFFFFFFF, s13;
	[sflag:s4] =	ssyncset.done $0x0  }
.LBB2_2:
0x23: {  	p0 =	sne.s32 s13, $0x1;
	s13 =	sadd.s32 $0xFFFFFFFF, s13;
	[sflag:s4] =	ssyncadd.s32 $0xFFFFE800  }
0x24: {  	[tilespmem:s5], [sflag:$0x2] =	stream.linear.gather [hbm4b:s2+s5], $0x80, $0x38;
	[tilespmem:$0x1880] =	vst v63  }
0x25: {  	_ =	swait.ge [sflag:s4], $0x80  }
0x26: {  	[sflag:s4] =	ssyncset.done $0x0  }
0x27: {  	[sflag:s4] =	ssyncadd.s32 $0xFFFFFF80  }
0x28: {  	v2 =	vld.msk [tilespmem:$0x0], $0xff;
	_ =	sdelay $0x4  }
0x29: {  	v3 =	vshrl.u32 v2, $0x3  }
0x2a: {  	v3 =	vmul.u32 $0x30, v3  }
0x2b: {  	v2 =	vand.u32 $0x7, v2  }
0x2c: {  	v2 =	vor.u32 v2, v3  }
0x2d: {  	v2 =	vperm.xlane v2, v0;
	_ =	sdelay $0x1  }
0x2e: {  	v2 =	vadd.s32 v1, v2;
	_ =	sdelay $0x4  }
0x2f: {  	[tilespmem:s6], [sflag:$0x1] =	stream.indirect_vreg.gather [hbm4b:s3+s5], $0x80, v2, vm0, $0xb8;
	[tilespmem:$0x1880] =	vst v63  }
0x30: {  	_ = 	snop  }
0x31: {  	[tilespmem:s9], [sflag:$0x1] =	stream.indirect_vreg.gather [hbm4b:s7+s5], $0x80, v2, vm0, $0xb8;
	[tilespmem:$0x1880] =	vst v63  }
0x32: {  	_ = 	snop  }
0x33: {  	[tilespmem:s10], [sflag:$0x1] =	stream.indirect_vreg.gather [hbm4b:s8+s5], $0x80, v2, vm0, $0xb8;
	[tilespmem:$0x1880] =	vst v63  }
0x34: {  	_ =	swait.ge [sflag:s11], $0x1800  }
.Ltmp2:
0x35: {  	[sflag:s11] =	ssyncset.done $0x0;
	(pc) =	sbr.rel @p0 .LBB2_2-.Ltmp2, $4  }
0x36: {  	[sflag:s11] =	ssyncadd.s32 $0xFFFFE800  }
0x37: {  	[hbm4b:s12+s5] =	stream.linear.scatter [tilespmem:s6], [sflag:$0x2], $0x1800, $0x38;
	[tilespmem:$0x1880] =	vst v63  }
0x38: {  	_ =	swait.ge [sflag:s4], $0x1800  }
0x39: {  	[sflag:s4] =	ssyncset.done $0x0  }
.LBB2_3:
0x3a: {  	[sflag:s4] =	ssyncadd.s32 $0xFFFFE800  }
.LBB2_4:
0x3b: {  	_ =	sfence.sel $0x180000  }
0x3c: {  	[bflag:$0x0] =	sbarrier.arrive $0xFFFF  }
0x3d: {  	p0 =	sne.s32 s0, $0x0;
	_ =	strace $0x90000047  }
0x3e: {  	s0 =	sadd.s32 @!p0 $0x100000, s1;
	[bflag:$0x2] =	sbarrier.arrive $0xFFFF  }
0x3f: {  	[sflag:s0] =	ssyncadd.tile.s32 @!p0 $0x1;
	_ =	shalt  }
.Lfunc_end2:
_tile_overlayer_lowered:
.L_overlay_start_2:
0x40: {  	(tag) =	ssettag $0x2  }
0x41: {  	s0 =	rddreg [dreg:$0x0];
	s2 =	stileid.u32  }
0x42: {  	s1 =	rddreg [dreg:$0x1];
	p0 =	sne.s32 s2, $0x0  }
0x43: {  	s3 =	rddreg [dreg:$0x2];
	[bflag:$0x3] =	sbarrier.arrive $0xFFFF;
	s2 =	simm.s32 @!p0 $0x1C02  }
0x44: {  	[timem:s3], [sflag:s2] =	dma.local @!p0 [hbm:s0], s1  }
0x45: {  	s0 =	simm.s32 @!p0 $0x2  }
0x46: {  	_ =	swait.ge @!p0 [sflag:s0], s1  }
0x47: {  	s1 =	ssub.s32 @!p0 $0x0, s1;
	[sflag:s0] =	ssyncset.done @!p0 $0x0  }
0x48: {  	[sflag:s0] =	ssyncadd.s32 @!p0 s1  }
0x49: {  	[bflag:$0x3] =	sbarrier.arrive $0xFFFF  }
0x4a: {  	_ =	shalt  }

</sc_bundles>
